<compile_context>
chip_gen: v7x
topology: tpu7x:2x2x1
jax: 0.10.2.dev20260603
libtpu: 0.0.44.dev20260713+nightly
codegen_flags: <defaults>
</compile_context>

<pallas_src>
import functools

import jax
import jax.numpy as jnp
from jax import lax
from jax.experimental import pallas as pl
from jax.experimental.pallas import tpu as pltpu
from jax.experimental.pallas import tpu_sc as plsc

N_NODES = 10000
D = 128
DA = 136
E_EDGES = 320000

NC = 2
NS = 16
NW = NC * NS
CHUNK = 64
NBUF = 2
NCH = 158
EPT = NCH * CHUNK
E_PAD = EPT * NW
ACC_N = 10112
ZPT = ACC_N // NS

_vector_mesh = plsc.VectorSubcoreMesh(core_axis_name="c", subcore_axis_name="s")


@functools.partial(
    pl.kernel,
    out_type=jax.ShapeDtypeStruct((NC, ACC_N, DA), jnp.float32),
    mesh=_vector_mesh,
    scratch_types=[
        pltpu.VMEM((NCH, CHUNK), jnp.int32),
        pltpu.VMEM((NCH, CHUNK), jnp.int32),
        pltpu.VMEM((NBUF, CHUNK, DA), jnp.float32),
        pltpu.VMEM_SHARED((ACC_N, DA), jnp.float32),
        pltpu.SemaphoreType.DMA,
        pltpu.SemaphoreType.DMA,
    ],
    compiler_params=pltpu.CompilerParams(use_tc_tiling_on_sc=False),
)
def _sc_aggregate(xa_hbm, src_hbm, dst_hbm, zero_hbm, sum_hbm,
                  src_v, dst_v, rows_r, acc_sh, sg0, sg1):
    sg = (sg0, sg1)
    cid = lax.axis_index("c")
    sid = lax.axis_index("s")
    wid = cid * NS + sid

    zbase = sid * ZPT
    pltpu.sync_copy(zero_hbm, acc_sh.at[pl.ds(zbase, ZPT)])
    pltpu.sync_copy(src_hbm.at[wid], src_v)
    pltpu.sync_copy(dst_hbm.at[wid], dst_v)

    pltpu.async_copy(xa_hbm.at[src_v.at[0]], rows_r.at[0], sg[0])

    plsc.subcore_barrier()

    @pl.loop(0, NCH, step=NBUF)
    def _(j):
        for b in range(NBUF):
            c = j + b
            nb = 1 - b
            pltpu.make_async_copy(
                xa_hbm.at[src_v.at[c]], rows_r.at[b], sg[b]).wait()

            @pl.when(c + 1 < NCH)
            def _():
                pltpu.async_copy(
                    xa_hbm.at[src_v.at[c + 1]], rows_r.at[nb], sg[nb])

            pltpu.sync_copy(rows_r.at[b], acc_sh.at[dst_v.at[c]], add=True)

    plsc.subcore_barrier()

    pltpu.sync_copy(acc_sh.at[pl.ds(zbase, ZPT)],
                    sum_hbm.at[cid].at[pl.ds(zbase, ZPT)])


BLK = 400


def _combine_body(sum_ref, x_ref, wl_ref, wr_ref, bl_ref, o_ref):
    a = sum_ref[0] + sum_ref[1]
    s = a[:, :D]
    c = a[:, D:D + 1]
    mean = s / jnp.maximum(c, 1.0)
    o_ref[...] = (
        jnp.dot(mean, wl_ref[...], preferred_element_type=jnp.float32)
        + jnp.dot(x_ref[...], wr_ref[...], preferred_element_type=jnp.float32)
        + bl_ref[...]
    )


def _combine(sums, x, wl_t, wr_t, bl):
    return pl.pallas_call(
        _combine_body,
        grid=(N_NODES // BLK,),
        in_specs=[
            pl.BlockSpec((NC, BLK, DA), lambda i: (0, i, 0)),
            pl.BlockSpec((BLK, D), lambda i: (i, 0)),
            pl.BlockSpec((D, D), lambda i: (0, 0)),
            pl.BlockSpec((D, D), lambda i: (0, 0)),
            pl.BlockSpec((1, D), lambda i: (0, 0)),
        ],
        out_specs=pl.BlockSpec((BLK, D), lambda i: (i, 0)),
        out_shape=jax.ShapeDtypeStruct((N_NODES, D), jnp.float32),
    )(sums, x, wl_t, wr_t, bl)


def kernel(x, edge_index, W_l, b_l, W_r):
    src = edge_index[0]
    dst = edge_index[1]
    pad = E_PAD - E_EDGES
    src_p = jnp.concatenate([src, jnp.zeros((pad,), jnp.int32)])
    dst_p = jnp.concatenate([dst, jnp.full((pad,), N_NODES, jnp.int32)])
    src_r = src_p.reshape(NW, NCH, CHUNK)
    dst_r = dst_p.reshape(NW, NCH, CHUNK)

    xa = jnp.concatenate(
        [x, jnp.ones((N_NODES, 1), jnp.float32),
         jnp.zeros((N_NODES, DA - D - 1), jnp.float32)], axis=1)
    zeros = jnp.zeros((ZPT, DA), jnp.float32)

    sums = _sc_aggregate(xa, src_r, dst_r, zeros)

    return _combine(sums, x, W_l.T, W_r.T, b_l.reshape(1, D))

# --- scband reference (transcript-rebuilt; emitter-appended) ---
"""Pipeline reference for scband-graph-conv-10703058501941 (READ-ONLY COPY).

The authoritative reference and input builder live on the scoring server;
editing this copy changes nothing except your own understanding.
"""

import jax, jax.numpy as jnp
import numpy as np

N = 10000
E = 320000
D_IN = 128
D_OUT = 128


def setup_inputs(seed: int = 0) -> dict:
    key = jax.random.key(seed)
    k1, k2, k3, k4, k5 = jax.random.split(key, 5)
    x = jax.random.normal(k1, (N, D_IN), dtype=jnp.float32)
    edge_index = jax.random.randint(k2, (2, E), 0, N, dtype=jnp.int32)
    scale = 1.0 / np.sqrt(D_IN)
    # SAGEConv params: lin_l (applied to aggregated neighbors, with bias), lin_r (applied to root, no bias)
    W_l = jax.random.uniform(k3, (D_OUT, D_IN), dtype=jnp.float32, minval=-scale, maxval=scale)
    b_l = jax.random.uniform(k4, (D_OUT,), dtype=jnp.float32, minval=-scale, maxval=scale)
    W_r = jax.random.uniform(k5, (D_OUT, D_IN), dtype=jnp.float32, minval=-scale, maxval=scale)
    return {"x": x, "edge_index": edge_index, "W_l": W_l, "b_l": b_l, "W_r": W_r}


def reference(x, edge_index, W_l, b_l, W_r):
    # GraphConv with gcn_type='sage' -> torch_geometric SAGEConv(normalize=False, bias=True, aggr='mean')
    # out_i = W_l @ mean_{j in N(i)} x_j + b_l + W_r @ x_i
    src = edge_index[0]
    dst = edge_index[1]
    msg = jnp.take(x, src, axis=0)                                   # gather source node features [E, D_IN]
    summed = jax.ops.segment_sum(msg, dst, num_segments=N)           # scatter-add to destination nodes
    cnt = jax.ops.segment_sum(jnp.ones((msg.shape[0],), jnp.float32), dst, num_segments=N)
    mean = summed / jnp.maximum(cnt, 1.0)[:, None]
    out = mean @ W_l.T + b_l + x @ W_r.T
    return out

if __name__ == "__main__":
    import jax
    _d = setup_inputs()
    print(jax.jit(kernel)(*tuple(_d.values())))

</pallas_src>

<mosaic_0001>
#map = affine_map<(d0, d1) -> (0, 0)>
#map1 = affine_map<(d0, d1) -> (0, 0, 0)>
module attributes {stable_mosaic.version = 14 : i64} {
  func.func @_sc_aggregate(%arg0: i32, %arg1: i32, %arg2: memref<10000x136xf32, #tpu.memory_space<hbm>>, %arg3: memref<32x158x64xi32, #tpu.memory_space<hbm>>, %arg4: memref<32x158x64xi32, #tpu.memory_space<hbm>>, %arg5: memref<632x136xf32, #tpu.memory_space<hbm>>, %arg6: memref<2x10112x136xf32, #tpu.memory_space<hbm>>, %arg7: memref<158x64xi32, #tpu.memory_space<vmem>>, %arg8: memref<158x64xi32, #tpu.memory_space<vmem>>, %arg9: memref<2x64x136xf32, #tpu.memory_space<vmem>>, %arg10: memref<10112x136xf32, #tpu.memory_space<vmem_shared>>, %arg11: memref<!tpu.dma_semaphore, #tpu.memory_space<semaphore_mem>>, %arg12: memref<!tpu.dma_semaphore, #tpu.memory_space<semaphore_mem>>) attributes {dimension_semantics = [#tpu.dimension_semantics<core_parallel>, #tpu.dimension_semantics<subcore_parallel>], iteration_bounds = array<i64: 2, 16>, scalar_prefetch = 0 : i64, scratch_operands = 6 : i64, tpu.core_type = #tpu.core_type<sc_vector_subcore>, window_params = [{transform_indices = #map}, {transform_indices = #map1}, {transform_indices = #map1}, {transform_indices = #map}, {transform_indices = #map1}]} {
    %mul3A = arith.constant 16 : i32
    %mul3A_0 = arith.muli %arg0, %mul3A : i32
    %add3A = arith.addi %mul3A_0, %arg1 : i32
    %mul3A_1 = arith.constant 632 : i32
    %mul3A_2 = arith.muli %arg1, %mul3A_1 : i32
    "tpu.region"() ({
      %run_scoped3A = tpu.sem_alloc : memref<!tpu.dma_semaphore, #tpu.memory_space<semaphore_mem>>
      %dma_start3A_19 = arith.constant 0 : i32
      %dma_start3A_20 = tpu.memref_slice %arg10[%mul3A_2, %dma_start3A_19] : memref<10112x136xf32, #tpu.memory_space<vmem_shared>> -> memref<632x136xf32, #tpu.memory_space<vmem_shared>>
      tpu.enqueue_dma source(%arg5 : memref<632x136xf32, #tpu.memory_space<hbm>>) target(%dma_start3A_20 : memref<632x136xf32, #tpu.memory_space<vmem_shared>>) target_semaphore(%run_scoped3A : memref<!tpu.dma_semaphore, #tpu.memory_space<semaphore_mem>>)
      %dma_wait3A = arith.constant 0 : i32
      %dma_wait3A_21 = tpu.memref_slice %arg10[%mul3A_2, %dma_wait3A] : memref<10112x136xf32, #tpu.memory_space<vmem_shared>> -> memref<632x136xf32, #tpu.memory_space<vmem_shared>>
      tpu.wait_dma2 semaphore(%run_scoped3A : memref<!tpu.dma_semaphore, #tpu.memory_space<semaphore_mem>>) src(%arg5 : memref<632x136xf32, #tpu.memory_space<hbm>>) dst(%dma_wait3A_21 : memref<632x136xf32, #tpu.memory_space<vmem_shared>>)
      tpu.yield
    }) : () -> ()
    "tpu.region"() ({
      %run_scoped3A = tpu.sem_alloc : memref<!tpu.dma_semaphore, #tpu.memory_space<semaphore_mem>>
      %dma_start3A_19 = arith.constant 0 : i32
      %dma_start3A_20 = arith.constant 0 : i32
      %dma_start3A_21 = tpu.memref_slice %arg3[%add3A, %dma_start3A_19, %dma_start3A_20] : memref<32x158x64xi32, #tpu.memory_space<hbm>> -> memref<1x158x64xi32, #tpu.memory_space<hbm>>
      %dma_start3A_22 = tpu.memref_squeeze %dma_start3A_21 : memref<1x158x64xi32, #tpu.memory_space<hbm>> -> memref<158x64xi32, #tpu.memory_space<hbm>>
      %dma_start3A_23 = arith.constant 0 : i32
      %dma_start3A_24 = arith.constant 0 : i32
      %dma_start3A_25 = tpu.memref_slice %arg3[%add3A, %dma_start3A_23, %dma_start3A_24] : memref<32x158x64xi32, #tpu.memory_space<hbm>> -> memref<1x158x64xi32, #tpu.memory_space<hbm>>
      %dma_start3A_26 = tpu.memref_squeeze %dma_start3A_25 : memref<1x158x64xi32, #tpu.memory_space<hbm>> -> memref<158x64xi32, #tpu.memory_space<hbm>>
      tpu.enqueue_dma source(%dma_start3A_26 : memref<158x64xi32, #tpu.memory_space<hbm>>) target(%arg7 : memref<158x64xi32, #tpu.memory_space<vmem>>) target_semaphore(%run_scoped3A : memref<!tpu.dma_semaphore, #tpu.memory_space<semaphore_mem>>)
      %dma_wait3A = arith.constant 0 : i32
      %dma_wait3A_27 = arith.constant 0 : i32
      %dma_wait3A_28 = tpu.memref_slice %arg3[%add3A, %dma_wait3A, %dma_wait3A_27] : memref<32x158x64xi32, #tpu.memory_space<hbm>> -> memref<1x158x64xi32, #tpu.memory_space<hbm>>
      %dma_wait3A_29 = tpu.memref_squeeze %dma_wait3A_28 : memref<1x158x64xi32, #tpu.memory_space<hbm>> -> memref<158x64xi32, #tpu.memory_space<hbm>>
      %dma_wait3A_30 = arith.constant 0 : i32
      %dma_wait3A_31 = arith.constant 0 : i32
      %dma_wait3A_32 = tpu.memref_slice %arg3[%add3A, %dma_wait3A_30, %dma_wait3A_31] : memref<32x158x64xi32, #tpu.memory_space<hbm>> -> memref<1x158x64xi32, #tpu.memory_space<hbm>>
      %dma_wait3A_33 = tpu.memref_squeeze %dma_wait3A_32 : memref<1x158x64xi32, #tpu.memory_space<hbm>> -> memref<158x64xi32, #tpu.memory_space<hbm>>
      tpu.wait_dma2 semaphore(%run_scoped3A : memref<!tpu.dma_semaphore, #tpu.memory_space<semaphore_mem>>) src(%dma_wait3A_33 : memref<158x64xi32, #tpu.memory_space<hbm>>) dst(%arg7 : memref<158x64xi32, #tpu.memory_space<vmem>>)
      tpu.yield
    }) : () -> ()
    "tpu.region"() ({
      %run_scoped3A = tpu.sem_alloc : memref<!tpu.dma_semaphore, #tpu.memory_space<semaphore_mem>>
      %dma_start3A_19 = arith.constant 0 : i32
      %dma_start3A_20 = arith.constant 0 : i32
      %dma_start3A_21 = tpu.memref_slice %arg4[%add3A, %dma_start3A_19, %dma_start3A_20] : memref<32x158x64xi32, #tpu.memory_space<hbm>> -> memref<1x158x64xi32, #tpu.memory_space<hbm>>
      %dma_start3A_22 = tpu.memref_squeeze %dma_start3A_21 : memref<1x158x64xi32, #tpu.memory_space<hbm>> -> memref<158x64xi32, #tpu.memory_space<hbm>>
      %dma_start3A_23 = arith.constant 0 : i32
      %dma_start3A_24 = arith.constant 0 : i32
      %dma_start3A_25 = tpu.memref_slice %arg4[%add3A, %dma_start3A_23, %dma_start3A_24] : memref<32x158x64xi32, #tpu.memory_space<hbm>> -> memref<1x158x64xi32, #tpu.memory_space<hbm>>
      %dma_start3A_26 = tpu.memref_squeeze %dma_start3A_25 : memref<1x158x64xi32, #tpu.memory_space<hbm>> -> memref<158x64xi32, #tpu.memory_space<hbm>>
      tpu.enqueue_dma source(%dma_start3A_26 : memref<158x64xi32, #tpu.memory_space<hbm>>) target(%arg8 : memref<158x64xi32, #tpu.memory_space<vmem>>) target_semaphore(%run_scoped3A : memref<!tpu.dma_semaphore, #tpu.memory_space<semaphore_mem>>)
      %dma_wait3A = arith.constant 0 : i32
      %dma_wait3A_27 = arith.constant 0 : i32
      %dma_wait3A_28 = tpu.memref_slice %arg4[%add3A, %dma_wait3A, %dma_wait3A_27] : memref<32x158x64xi32, #tpu.memory_space<hbm>> -> memref<1x158x64xi32, #tpu.memory_space<hbm>>
      %dma_wait3A_29 = tpu.memref_squeeze %dma_wait3A_28 : memref<1x158x64xi32, #tpu.memory_space<hbm>> -> memref<158x64xi32, #tpu.memory_space<hbm>>
      %dma_wait3A_30 = arith.constant 0 : i32
      %dma_wait3A_31 = arith.constant 0 : i32
      %dma_wait3A_32 = tpu.memref_slice %arg4[%add3A, %dma_wait3A_30, %dma_wait3A_31] : memref<32x158x64xi32, #tpu.memory_space<hbm>> -> memref<1x158x64xi32, #tpu.memory_space<hbm>>
      %dma_wait3A_33 = tpu.memref_squeeze %dma_wait3A_32 : memref<1x158x64xi32, #tpu.memory_space<hbm>> -> memref<158x64xi32, #tpu.memory_space<hbm>>
      tpu.wait_dma2 semaphore(%run_scoped3A : memref<!tpu.dma_semaphore, #tpu.memory_space<semaphore_mem>>) src(%dma_wait3A_33 : memref<158x64xi32, #tpu.memory_space<hbm>>) dst(%arg8 : memref<158x64xi32, #tpu.memory_space<vmem>>)
      tpu.yield
    }) : () -> ()
    %dma_start3A = arith.constant 0 : i32
    %dma_start3A_3 = arith.constant 0 : i32
    %dma_start3A_4 = arith.constant 0 : i32
    %dma_start3A_5 = arith.constant 0 : i32
    %dma_start3A_6 = tpu.memref_slice %arg9[%dma_start3A_3, %dma_start3A_4, %dma_start3A_5] : memref<2x64x136xf32, #tpu.memory_space<vmem>> -> memref<1x64x136xf32, #tpu.memory_space<vmem>>
    %dma_start3A_7 = tpu.memref_squeeze %dma_start3A_6 : memref<1x64x136xf32, #tpu.memory_space<vmem>> -> memref<64x136xf32, #tpu.memory_space<vmem>>
    %dma_start3A_8 = arith.constant 0 : i32
    %dma_start3A_9 = tpu.memref_slice %arg7[%dma_start3A, %dma_start3A_8] : memref<158x64xi32, #tpu.memory_space<vmem>> -> memref<1x64xi32, #tpu.memory_space<vmem>>
    %dma_start3A_10 = tpu.memref_squeeze %dma_start3A_9 : memref<1x64xi32, #tpu.memory_space<vmem>> -> memref<64xi32, #tpu.memory_space<vmem>>
    %dma_start3A_11 = arith.constant 0 : i32
    %dma_start3A_12 = arith.constant 0 : i32
    %dma_start3A_13 = tpu.memref_slice %arg2[%dma_start3A_11, %dma_start3A_12] : memref<10000x136xf32, #tpu.memory_space<hbm>> -> memref<10000x136xf32, #tpu.memory_space<hbm>>
    tpu.enqueue_indirect_dma source(%dma_start3A_13 : memref<10000x136xf32, #tpu.memory_space<hbm>>) target(%dma_start3A_7 : memref<64x136xf32, #tpu.memory_space<vmem>>) offsets(%dma_start3A_10 : memref<64xi32, #tpu.memory_space<vmem>>) semaphore(%arg11 : memref<!tpu.dma_semaphore, #tpu.memory_space<semaphore_mem>>)
    %barrier3A = arith.constant 0 : index
    tpu.barrier barrier_id(%barrier3A)
    %scan3A = arith.constant 0 : i32
    %scan3A_14 = arith.constant 79 : i32
    %scan3A_15 = arith.addi %scan3A, %scan3A_14 : i32
    %scan3A_16 = arith.constant 1 : i32
    scf.for %scan3A_19 = %scan3A to %scan3A_15 step %scan3A_16  : i32 {
      %mul3A_20 = arith.constant 2 : i32
      %mul3A_21 = arith.muli %scan3A_19, %mul3A_20 : i32
      %add3A_22 = arith.constant 0 : i32
      %add3A_23 = arith.addi %add3A_22, %mul3A_21 : i32
      %add3A_24 = arith.constant 0 : i32
      %add3A_25 = arith.addi %add3A_23, %add3A_24 : i32
      %dma_wait3A = arith.constant 0 : i32
      %dma_wait3A_26 = arith.constant 0 : i32
      %dma_wait3A_27 = arith.constant 0 : i32
      %dma_wait3A_28 = tpu.memref_slice %arg9[%dma_wait3A, %dma_wait3A_26, %dma_wait3A_27] : memref<2x64x136xf32, #tpu.memory_space<vmem>> -> memref<1x64x136xf32, #tpu.memory_space<vmem>>
      %dma_wait3A_29 = tpu.memref_squeeze %dma_wait3A_28 : memref<1x64x136xf32, #tpu.memory_space<vmem>> -> memref<64x136xf32, #tpu.memory_space<vmem>>
      %dma_wait3A_30 = arith.constant 0 : i32
      %dma_wait3A_31 = tpu.memref_slice %arg7[%add3A_25, %dma_wait3A_30] : memref<158x64xi32, #tpu.memory_space<vmem>> -> memref<1x64xi32, #tpu.memory_space<vmem>>
      %dma_wait3A_32 = tpu.memref_squeeze %dma_wait3A_31 : memref<1x64xi32, #tpu.memory_space<vmem>> -> memref<64xi32, #tpu.memory_space<vmem>>
      %dma_wait3A_33 = arith.constant 0 : i32
      %dma_wait3A_34 = arith.constant 0 : i32
      %dma_wait3A_35 = tpu.memref_slice %arg2[%dma_wait3A_33, %dma_wait3A_34] : memref<10000x136xf32, #tpu.memory_space<hbm>> -> memref<10000x136xf32, #tpu.memory_space<hbm>>
      tpu.wait_indirect_dma semaphore(%arg11 : memref<!tpu.dma_semaphore, #tpu.memory_space<semaphore_mem>>) src(%dma_wait3A_35 : memref<10000x136xf32, #tpu.memory_space<hbm>>) dst(%dma_wait3A_29 : memref<64x136xf32, #tpu.memory_space<vmem>>)
      %add3A_36 = arith.constant 1 : i32
      %add3A_37 = arith.addi %add3A_25, %add3A_36 : i32
      %lt3A = arith.constant 158 : i32
      %lt3A_38 = arith.cmpi slt, %add3A_37, %lt3A : i32
      %convert_element_type3A = arith.extui %lt3A_38 : i1 to i32
      %cond3A = arith.constant 0 : i32
      %cond3A_39 = arith.cmpi ne, %convert_element_type3A, %cond3A : i32
      scf.if %cond3A_39 {
        %add3A_61 = arith.constant 1 : i32
        %add3A_62 = arith.addi %add3A_25, %add3A_61 : i32
        %dma_start3A_63 = arith.constant 1 : i32
        %dma_start3A_64 = arith.constant 0 : i32
        %dma_start3A_65 = arith.constant 0 : i32
        %dma_start3A_66 = tpu.memref_slice %arg9[%dma_start3A_63, %dma_start3A_64, %dma_start3A_65] : memref<2x64x136xf32, #tpu.memory_space<vmem>> -> memref<1x64x136xf32, #tpu.memory_space<vmem>>
        %dma_start3A_67 = tpu.memref_squeeze %dma_start3A_66 : memref<1x64x136xf32, #tpu.memory_space<vmem>> -> memref<64x136xf32, #tpu.memory_space<vmem>>
        %dma_start3A_68 = arith.constant 0 : i32
        %dma_start3A_69 = tpu.memref_slice %arg7[%add3A_62, %dma_start3A_68] : memref<158x64xi32, #tpu.memory_space<vmem>> -> memref<1x64xi32, #tpu.memory_space<vmem>>
        %dma_start3A_70 = tpu.memref_squeeze %dma_start3A_69 : memref<1x64xi32, #tpu.memory_space<vmem>> -> memref<64xi32, #tpu.memory_space<vmem>>
        %dma_start3A_71 = arith.constant 0 : i32
        %dma_start3A_72 = arith.constant 0 : i32
        %dma_start3A_73 = tpu.memref_slice %arg2[%dma_start3A_71, %dma_start3A_72] : memref<10000x136xf32, #tpu.memory_space<hbm>> -> memref<10000x136xf32, #tpu.memory_space<hbm>>
        tpu.enqueue_indirect_dma source(%dma_start3A_73 : memref<10000x136xf32, #tpu.memory_space<hbm>>) target(%dma_start3A_67 : memref<64x136xf32, #tpu.memory_space<vmem>>) offsets(%dma_start3A_70 : memref<64xi32, #tpu.memory_space<vmem>>) semaphore(%arg12 : memref<!tpu.dma_semaphore, #tpu.memory_space<semaphore_mem>>)
      } else {
      }
      %run_scoped3A = arith.constant 0 : i32
      "tpu.region"() ({
        %run_scoped3A_61 = tpu.sem_alloc : memref<!tpu.dma_semaphore, #tpu.memory_space<semaphore_mem>>
        %dma_start3A_62 = arith.constant 0 : i32
        %dma_start3A_63 = arith.constant 0 : i32
        %dma_start3A_64 = tpu.memref_slice %arg9[%run_scoped3A, %dma_start3A_62, %dma_start3A_63] : memref<2x64x136xf32, #tpu.memory_space<vmem>> -> memref<1x64x136xf32, #tpu.memory_space<vmem>>
        %dma_start3A_65 = tpu.memref_squeeze %dma_start3A_64 : memref<1x64x136xf32, #tpu.memory_space<vmem>> -> memref<64x136xf32, #tpu.memory_space<vmem>>
        %dma_start3A_66 = arith.constant 0 : i32
        %dma_start3A_67 = tpu.memref_slice %arg8[%add3A_25, %dma_start3A_66] : memref<158x64xi32, #tpu.memory_space<vmem>> -> memref<1x64xi32, #tpu.memory_space<vmem>>
        %dma_start3A_68 = tpu.memref_squeeze %dma_start3A_67 : memref<1x64xi32, #tpu.memory_space<vmem>> -> memref<64xi32, #tpu.memory_space<vmem>>
        %dma_start3A_69 = arith.constant 0 : i32
        %dma_start3A_70 = arith.constant 0 : i32
        %dma_start3A_71 = tpu.memref_slice %arg10[%dma_start3A_69, %dma_start3A_70] : memref<10112x136xf32, #tpu.memory_space<vmem_shared>> -> memref<10112x136xf32, #tpu.memory_space<vmem_shared>>
        tpu.enqueue_indirect_dma source(%dma_start3A_65 : memref<64x136xf32, #tpu.memory_space<vmem>>) target(%dma_start3A_71 : memref<10112x136xf32, #tpu.memory_space<vmem_shared>>) offsets(%dma_start3A_68 : memref<64xi32, #tpu.memory_space<vmem>>) semaphore(%run_scoped3A_61 : memref<!tpu.dma_semaphore, #tpu.memory_space<semaphore_mem>>) {add = true}
        %dma_wait3A_72 = arith.constant 0 : i32
        %dma_wait3A_73 = arith.constant 0 : i32
        %dma_wait3A_74 = tpu.memref_slice %arg9[%run_scoped3A, %dma_wait3A_72, %dma_wait3A_73] : memref<2x64x136xf32, #tpu.memory_space<vmem>> -> memref<1x64x136xf32, #tpu.memory_space<vmem>>
        %dma_wait3A_75 = tpu.memref_squeeze %dma_wait3A_74 : memref<1x64x136xf32, #tpu.memory_space<vmem>> -> memref<64x136xf32, #tpu.memory_space<vmem>>
        %dma_wait3A_76 = arith.constant 0 : i32
        %dma_wait3A_77 = tpu.memref_slice %arg8[%add3A_25, %dma_wait3A_76] : memref<158x64xi32, #tpu.memory_space<vmem>> -> memref<1x64xi32, #tpu.memory_space<vmem>>
        %dma_wait3A_78 = tpu.memref_squeeze %dma_wait3A_77 : memref<1x64xi32, #tpu.memory_space<vmem>> -> memref<64xi32, #tpu.memory_space<vmem>>
        %dma_wait3A_79 = arith.constant 0 : i32
        %dma_wait3A_80 = arith.constant 0 : i32
        %dma_wait3A_81 = tpu.memref_slice %arg10[%dma_wait3A_79, %dma_wait3A_80] : memref<10112x136xf32, #tpu.memory_space<vmem_shared>> -> memref<10112x136xf32, #tpu.memory_space<vmem_shared>>
        tpu.wait_indirect_dma semaphore(%run_scoped3A_61 : memref<!tpu.dma_semaphore, #tpu.memory_space<semaphore_mem>>) src(%dma_wait3A_75 : memref<64x136xf32, #tpu.memory_space<vmem>>) dst(%dma_wait3A_81 : memref<10112x136xf32, #tpu.memory_space<vmem_shared>>)
        tpu.yield
      }) : () -> ()
      %add3A_40 = arith.constant 1 : i32
      %add3A_41 = arith.addi %add3A_23, %add3A_40 : i32
      %dma_wait3A_42 = arith.constant 1 : i32
      %dma_wait3A_43 = arith.constant 0 : i32
      %dma_wait3A_44 = arith.constant 0 : i32
      %dma_wait3A_45 = tpu.memref_slice %arg9[%dma_wait3A_42, %dma_wait3A_43, %dma_wait3A_44] : memref<2x64x136xf32, #tpu.memory_space<vmem>> -> memref<1x64x136xf32, #tpu.memory_space<vmem>>
      %dma_wait3A_46 = tpu.memref_squeeze %dma_wait3A_45 : memref<1x64x136xf32, #tpu.memory_space<vmem>> -> memref<64x136xf32, #tpu.memory_space<vmem>>
      %dma_wait3A_47 = arith.constant 0 : i32
      %dma_wait3A_48 = tpu.memref_slice %arg7[%add3A_41, %dma_wait3A_47] : memref<158x64xi32, #tpu.memory_space<vmem>> -> memref<1x64xi32, #tpu.memory_space<vmem>>
      %dma_wait3A_49 = tpu.memref_squeeze %dma_wait3A_48 : memref<1x64xi32, #tpu.memory_space<vmem>> -> memref<64xi32, #tpu.memory_space<vmem>>
      %dma_wait3A_50 = arith.constant 0 : i32
      %dma_wait3A_51 = arith.constant 0 : i32
      %dma_wait3A_52 = tpu.memref_slice %arg2[%dma_wait3A_50, %dma_wait3A_51] : memref<10000x136xf32, #tpu.memory_space<hbm>> -> memref<10000x136xf32, #tpu.memory_space<hbm>>
      tpu.wait_indirect_dma semaphore(%arg12 : memref<!tpu.dma_semaphore, #tpu.memory_space<semaphore_mem>>) src(%dma_wait3A_52 : memref<10000x136xf32, #tpu.memory_space<hbm>>) dst(%dma_wait3A_46 : memref<64x136xf32, #tpu.memory_space<vmem>>)
      %add3A_53 = arith.constant 1 : i32
      %add3A_54 = arith.addi %add3A_41, %add3A_53 : i32
      %lt3A_55 = arith.constant 158 : i32
      %lt3A_56 = arith.cmpi slt, %add3A_54, %lt3A_55 : i32
      %convert_element_type3A_57 = arith.extui %lt3A_56 : i1 to i32
      %cond3A_58 = arith.constant 0 : i32
      %cond3A_59 = arith.cmpi ne, %convert_element_type3A_57, %cond3A_58 : i32
      scf.if %cond3A_59 {
        %add3A_61 = arith.constant 1 : i32
        %add3A_62 = arith.addi %add3A_41, %add3A_61 : i32
        %dma_start3A_63 = arith.constant 0 : i32
        %dma_start3A_64 = arith.constant 0 : i32
        %dma_start3A_65 = arith.constant 0 : i32
        %dma_start3A_66 = tpu.memref_slice %arg9[%dma_start3A_63, %dma_start3A_64, %dma_start3A_65] : memref<2x64x136xf32, #tpu.memory_space<vmem>> -> memref<1x64x136xf32, #tpu.memory_space<vmem>>
        %dma_start3A_67 = tpu.memref_squeeze %dma_start3A_66 : memref<1x64x136xf32, #tpu.memory_space<vmem>> -> memref<64x136xf32, #tpu.memory_space<vmem>>
        %dma_start3A_68 = arith.constant 0 : i32
        %dma_start3A_69 = tpu.memref_slice %arg7[%add3A_62, %dma_start3A_68] : memref<158x64xi32, #tpu.memory_space<vmem>> -> memref<1x64xi32, #tpu.memory_space<vmem>>
        %dma_start3A_70 = tpu.memref_squeeze %dma_start3A_69 : memref<1x64xi32, #tpu.memory_space<vmem>> -> memref<64xi32, #tpu.memory_space<vmem>>
        %dma_start3A_71 = arith.constant 0 : i32
        %dma_start3A_72 = arith.constant 0 : i32
        %dma_start3A_73 = tpu.memref_slice %arg2[%dma_start3A_71, %dma_start3A_72] : memref<10000x136xf32, #tpu.memory_space<hbm>> -> memref<10000x136xf32, #tpu.memory_space<hbm>>
        tpu.enqueue_indirect_dma source(%dma_start3A_73 : memref<10000x136xf32, #tpu.memory_space<hbm>>) target(%dma_start3A_67 : memref<64x136xf32, #tpu.memory_space<vmem>>) offsets(%dma_start3A_70 : memref<64xi32, #tpu.memory_space<vmem>>) semaphore(%arg11 : memref<!tpu.dma_semaphore, #tpu.memory_space<semaphore_mem>>)
      } else {
      }
      %run_scoped3A_60 = arith.constant 1 : i32
      "tpu.region"() ({
        %run_scoped3A_61 = tpu.sem_alloc : memref<!tpu.dma_semaphore, #tpu.memory_space<semaphore_mem>>
        %dma_start3A_62 = arith.constant 0 : i32
        %dma_start3A_63 = arith.constant 0 : i32
        %dma_start3A_64 = tpu.memref_slice %arg9[%run_scoped3A_60, %dma_start3A_62, %dma_start3A_63] : memref<2x64x136xf32, #tpu.memory_space<vmem>> -> memref<1x64x136xf32, #tpu.memory_space<vmem>>
        %dma_start3A_65 = tpu.memref_squeeze %dma_start3A_64 : memref<1x64x136xf32, #tpu.memory_space<vmem>> -> memref<64x136xf32, #tpu.memory_space<vmem>>
        %dma_start3A_66 = arith.constant 0 : i32
        %dma_start3A_67 = tpu.memref_slice %arg8[%add3A_41, %dma_start3A_66] : memref<158x64xi32, #tpu.memory_space<vmem>> -> memref<1x64xi32, #tpu.memory_space<vmem>>
        %dma_start3A_68 = tpu.memref_squeeze %dma_start3A_67 : memref<1x64xi32, #tpu.memory_space<vmem>> -> memref<64xi32, #tpu.memory_space<vmem>>
        %dma_start3A_69 = arith.constant 0 : i32
        %dma_start3A_70 = arith.constant 0 : i32
        %dma_start3A_71 = tpu.memref_slice %arg10[%dma_start3A_69, %dma_start3A_70] : memref<10112x136xf32, #tpu.memory_space<vmem_shared>> -> memref<10112x136xf32, #tpu.memory_space<vmem_shared>>
        tpu.enqueue_indirect_dma source(%dma_start3A_65 : memref<64x136xf32, #tpu.memory_space<vmem>>) target(%dma_start3A_71 : memref<10112x136xf32, #tpu.memory_space<vmem_shared>>) offsets(%dma_start3A_68 : memref<64xi32, #tpu.memory_space<vmem>>) semaphore(%run_scoped3A_61 : memref<!tpu.dma_semaphore, #tpu.memory_space<semaphore_mem>>) {add = true}
        %dma_wait3A_72 = arith.constant 0 : i32
        %dma_wait3A_73 = arith.constant 0 : i32
        %dma_wait3A_74 = tpu.memref_slice %arg9[%run_scoped3A_60, %dma_wait3A_72, %dma_wait3A_73] : memref<2x64x136xf32, #tpu.memory_space<vmem>> -> memref<1x64x136xf32, #tpu.memory_space<vmem>>
        %dma_wait3A_75 = tpu.memref_squeeze %dma_wait3A_74 : memref<1x64x136xf32, #tpu.memory_space<vmem>> -> memref<64x136xf32, #tpu.memory_space<vmem>>
        %dma_wait3A_76 = arith.constant 0 : i32
        %dma_wait3A_77 = tpu.memref_slice %arg8[%add3A_41, %dma_wait3A_76] : memref<158x64xi32, #tpu.memory_space<vmem>> -> memref<1x64xi32, #tpu.memory_space<vmem>>
        %dma_wait3A_78 = tpu.memref_squeeze %dma_wait3A_77 : memref<1x64xi32, #tpu.memory_space<vmem>> -> memref<64xi32, #tpu.memory_space<vmem>>
        %dma_wait3A_79 = arith.constant 0 : i32
        %dma_wait3A_80 = arith.constant 0 : i32
        %dma_wait3A_81 = tpu.memref_slice %arg10[%dma_wait3A_79, %dma_wait3A_80] : memref<10112x136xf32, #tpu.memory_space<vmem_shared>> -> memref<10112x136xf32, #tpu.memory_space<vmem_shared>>
        tpu.wait_indirect_dma semaphore(%run_scoped3A_61 : memref<!tpu.dma_semaphore, #tpu.memory_space<semaphore_mem>>) src(%dma_wait3A_75 : memref<64x136xf32, #tpu.memory_space<vmem>>) dst(%dma_wait3A_81 : memref<10112x136xf32, #tpu.memory_space<vmem_shared>>)
        tpu.yield
      }) : () -> ()
    }
    %scan3A_17 = arith.constant 79 : i32
    %barrier3A_18 = arith.constant 0 : index
    tpu.barrier barrier_id(%barrier3A_18)
    "tpu.region"() ({
      %run_scoped3A = tpu.sem_alloc : memref<!tpu.dma_semaphore, #tpu.memory_space<semaphore_mem>>
      %dma_start3A_19 = arith.constant 0 : i32
      %dma_start3A_20 = arith.constant 0 : i32
      %dma_start3A_21 = tpu.memref_slice %arg6[%arg0, %dma_start3A_19, %dma_start3A_20] : memref<2x10112x136xf32, #tpu.memory_space<hbm>> -> memref<1x10112x136xf32, #tpu.memory_space<hbm>>
      %dma_start3A_22 = tpu.memref_squeeze %dma_start3A_21 : memref<1x10112x136xf32, #tpu.memory_space<hbm>> -> memref<10112x136xf32, #tpu.memory_space<hbm>>
      %dma_start3A_23 = arith.constant 0 : i32
      %dma_start3A_24 = tpu.memref_slice %dma_start3A_22[%mul3A_2, %dma_start3A_23] : memref<10112x136xf32, #tpu.memory_space<hbm>> -> memref<632x136xf32, #tpu.memory_space<hbm>>
      %dma_start3A_25 = arith.constant 0 : i32
      %dma_start3A_26 = tpu.memref_slice %arg10[%mul3A_2, %dma_start3A_25] : memref<10112x136xf32, #tpu.memory_space<vmem_shared>> -> memref<632x136xf32, #tpu.memory_space<vmem_shared>>
      tpu.enqueue_dma source(%dma_start3A_26 : memref<632x136xf32, #tpu.memory_space<vmem_shared>>) target(%dma_start3A_24 : memref<632x136xf32, #tpu.memory_space<hbm>>) target_semaphore(%run_scoped3A : memref<!tpu.dma_semaphore, #tpu.memory_space<semaphore_mem>>)
      %dma_wait3A = arith.constant 0 : i32
      %dma_wait3A_27 = arith.constant 0 : i32
      %dma_wait3A_28 = tpu.memref_slice %arg6[%arg0, %dma_wait3A, %dma_wait3A_27] : memref<2x10112x136xf32, #tpu.memory_space<hbm>> -> memref<1x10112x136xf32, #tpu.memory_space<hbm>>
      %dma_wait3A_29 = tpu.memref_squeeze %dma_wait3A_28 : memref<1x10112x136xf32, #tpu.memory_space<hbm>> -> memref<10112x136xf32, #tpu.memory_space<hbm>>
      %dma_wait3A_30 = arith.constant 0 : i32
      %dma_wait3A_31 = tpu.memref_slice %dma_wait3A_29[%mul3A_2, %dma_wait3A_30] : memref<10112x136xf32, #tpu.memory_space<hbm>> -> memref<632x136xf32, #tpu.memory_space<hbm>>
      %dma_wait3A_32 = arith.constant 0 : i32
      %dma_wait3A_33 = tpu.memref_slice %arg10[%mul3A_2, %dma_wait3A_32] : memref<10112x136xf32, #tpu.memory_space<vmem_shared>> -> memref<632x136xf32, #tpu.memory_space<vmem_shared>>
      tpu.wait_dma2 semaphore(%run_scoped3A : memref<!tpu.dma_semaphore, #tpu.memory_space<semaphore_mem>>) src(%dma_wait3A_33 : memref<632x136xf32, #tpu.memory_space<vmem_shared>>) dst(%dma_wait3A_31 : memref<632x136xf32, #tpu.memory_space<hbm>>)
      tpu.yield
    }) : () -> ()
    return
  }
}

module attributes {stable_mosaic.version = 14 : i64} {
  func.func @_combine_body(%arg0: i32, %arg1: memref<2x400x136xf32, #tpu.memory_space<vmem>>, %arg2: memref<400x128xf32, #tpu.memory_space<vmem>>, %arg3: memref<128x128xf32, #tpu.memory_space<vmem>>, %arg4: memref<128x128xf32, #tpu.memory_space<vmem>>, %arg5: memref<1x128xf32, #tpu.memory_space<vmem>>, %arg6: memref<400x128xf32, #tpu.memory_space<vmem>>) attributes {dimension_semantics = [#tpu.dimension_semantics<arbitrary>], iteration_bounds = array<i64: 25>, scalar_prefetch = 0 : i64, scratch_operands = 0 : i64, tpu.core_type = #tpu.core_type<tc>, window_params = [{transform_indices = @transform_0, window_bounds = array<i64: 2, 400, 136>}, {transform_indices = @transform_1, window_bounds = array<i64: 400, 128>}, {pipeline_mode = #tpu.pipeline_mode<synchronous>, transform_indices = @transform_2, window_bounds = array<i64: 128, 128>}, {pipeline_mode = #tpu.pipeline_mode<synchronous>, transform_indices = @transform_3, window_bounds = array<i64: 128, 128>}, {pipeline_mode = #tpu.pipeline_mode<synchronous>, transform_indices = @transform_4, window_bounds = array<i64: 1, 128>}, {transform_indices = @transform_5, window_bounds = array<i64: 400, 128>}]} {
    %get3A = arith.constant 0 : index
    %get3A_0 = arith.constant 0 : index
    %get3A_1 = arith.constant 0 : index
    %get3A_2 = vector.load %arg1[%get3A, %get3A_0, %get3A_1] : memref<2x400x136xf32, #tpu.memory_space<vmem>>, vector<1x400x136xf32>
    %get3A_3 = vector.shape_cast %get3A_2 : vector<1x400x136xf32> to vector<400x136xf32>
    %get3A_4 = arith.constant 1 : index
    %get3A_5 = arith.constant 0 : index
    %get3A_6 = arith.constant 0 : index
    %get3A_7 = vector.load %arg1[%get3A_4, %get3A_5, %get3A_6] : memref<2x400x136xf32, #tpu.memory_space<vmem>>, vector<1x400x136xf32>
    %get3A_8 = vector.shape_cast %get3A_7 : vector<1x400x136xf32> to vector<400x136xf32>
    %add3A = arith.addf %get3A_3, %get3A_8 : vector<400x136xf32>
    %slice3A = vector.extract_strided_slice %add3A {offsets = [0, 0], sizes = [400, 128], strides = [1, 1]} : vector<400x136xf32> to vector<400x128xf32>
    %slice3A_9 = vector.extract_strided_slice %add3A {offsets = [0, 128], sizes = [400, 1], strides = [1, 1]} : vector<400x136xf32> to vector<400x1xf32>
    %max3A = arith.constant 1.000000e+00 : f32
    %max3A_10 = vector.broadcast %max3A : f32 to vector<400x1xf32>
    %max3A_11 = arith.maximumf %slice3A_9, %max3A_10 : vector<400x1xf32>
    %div3A = vector.broadcast %max3A_11 : vector<400x1xf32> to vector<400x128xf32>
    %div3A_12 = arith.divf %slice3A, %div3A : vector<400x128xf32>
    %get3A_13 = arith.constant 0 : index
    %get3A_14 = arith.constant 0 : index
    %get3A_15 = vector.load %arg3[%get3A_13, %get3A_14] : memref<128x128xf32, #tpu.memory_space<vmem>>, vector<128x128xf32>
    %dot_general3A = arith.constant dense<0.000000e+00> : vector<400x128xf32>
    %dot_general3A_16 = tpu.matmul %div3A_12, %get3A_15, %dot_general3A {dimension_numbers = #tpu.dot_dimension_numbers<[1], [0], [0], [1], [0, 0, 1, 1], [], []>, transpose_lhs_hint = false} : vector<400x128xf32>, vector<128x128xf32>, vector<400x128xf32> -> vector<400x128xf32>
    %get3A_17 = arith.constant 0 : index
    %get3A_18 = arith.constant 0 : index
    %get3A_19 = vector.load %arg2[%get3A_17, %get3A_18] : memref<400x128xf32, #tpu.memory_space<vmem>>, vector<400x128xf32>
    %get3A_20 = arith.constant 0 : index
    %get3A_21 = arith.constant 0 : index
    %get3A_22 = vector.load %arg4[%get3A_20, %get3A_21] : memref<128x128xf32, #tpu.memory_space<vmem>>, vector<128x128xf32>
    %dot_general3A_23 = arith.constant dense<0.000000e+00> : vector<400x128xf32>
    %dot_general3A_24 = tpu.matmul %get3A_19, %get3A_22, %dot_general3A_23 {dimension_numbers = #tpu.dot_dimension_numbers<[1], [0], [0], [1], [0, 0, 1, 1], [], []>, transpose_lhs_hint = false} : vector<400x128xf32>, vector<128x128xf32>, vector<400x128xf32> -> vector<400x128xf32>
    %add3A_25 = arith.addf %dot_general3A_16, %dot_general3A_24 : vector<400x128xf32>
    %get3A_26 = arith.constant 0 : index
    %get3A_27 = arith.constant 0 : index
    %get3A_28 = vector.load %arg5[%get3A_26, %get3A_27] : memref<1x128xf32, #tpu.memory_space<vmem>>, vector<1x128xf32>
    %add3A_29 = vector.broadcast %get3A_28 : vector<1x128xf32> to vector<400x128xf32>
    %add3A_30 = arith.addf %add3A_25, %add3A_29 : vector<400x128xf32>
    %swap3A = arith.constant 0 : index
    %swap3A_31 = arith.constant 0 : index
    %swap3A_32 = vector.load %arg6[%swap3A, %swap3A_31] : memref<400x128xf32, #tpu.memory_space<vmem>>, vector<400x128xf32>
    tpu.vector_store %arg6[%swap3A, %swap3A_31], %add3A_30 {strides = array<i32>} : memref<400x128xf32, #tpu.memory_space<vmem>>, vector<400x128xf32>,
    return
  }
  func.func @transform_0(%arg0: i32) -> (i32, i32, i32) {
    %c0_i32 = arith.constant 0 : i32
    %c0_i32_0 = arith.constant 0 : i32
    %c0_i32_1 = arith.constant 0 : i32
    return %c0_i32, %arg0, %c0_i32_0 : i32, i32, i32
  }
  func.func @transform_1(%arg0: i32) -> (i32, i32) {
    %c0_i32 = arith.constant 0 : i32
    %c0_i32_0 = arith.constant 0 : i32
    return %arg0, %c0_i32 : i32, i32
  }
  func.func @transform_2(%arg0: i32) -> (i32, i32) {
    %c0_i32 = arith.constant 0 : i32
    %c0_i32_0 = arith.constant 0 : i32
    %c0_i32_1 = arith.constant 0 : i32
    return %c0_i32, %c0_i32_0 : i32, i32
  }
  func.func @transform_3(%arg0: i32) -> (i32, i32) {
    %c0_i32 = arith.constant 0 : i32
    %c0_i32_0 = arith.constant 0 : i32
    %c0_i32_1 = arith.constant 0 : i32
    return %c0_i32, %c0_i32_0 : i32, i32
  }
  func.func @transform_4(%arg0: i32) -> (i32, i32) {
    %c0_i32 = arith.constant 0 : i32
    %c0_i32_0 = arith.constant 0 : i32
    %c0_i32_1 = arith.constant 0 : i32
    return %c0_i32, %c0_i32_0 : i32, i32
  }
  func.func @transform_5(%arg0: i32) -> (i32, i32) {
    %c0_i32 = arith.constant 0 : i32
    %c0_i32_0 = arith.constant 0 : i32
    return %arg0, %c0_i32 : i32, i32
  }
}

</mosaic_0001>

<sc_bundles>
// kernel: kernel.4.cloned.1.call-start
scs
__scs_entry_jumppad:
0x0: {  	(pc) =	sbr.rel $0x88, $3  }
0x1: {  	(tag) =	ssettag $0x0;
	lr =	simm.s32 $0x1  }
0x2: {  	[smem:$0x3F9C] =	sst lr;
	_ =	strace $0xD0000000  }
0x3: {  	_ = 	snop  }
0x4: {  	_ = 	snop  }
0x5: {  	_ = 	snop  }
0x6: {  	_ = 	snop  }
0x7: {  	_ = 	snop  }
__scs_overlays_trampoline_lowered:
0x8: {  	[smem:$0x3FAB] =	sst s0  }
0x9: {  	[smem:$0x3FAC] =	sst s1  }
0xa: {  	[smem:$0x3FAD] =	sst s2  }
0xb: {  	[smem:$0x3FAE] =	sst s3  }
0xc: {  	[smem:$0x3FAF] =	sst s4  }
0xd: {  	[smem:$0x3FB0] =	sst s5  }
0xe: {  	[smem:$0x3FB1] =	sst s6  }
0xf: {  	[smem:$0x3FB2] =	sst s7  }
0x10: {  	[smem:$0x3FB3] =	sst s8  }
0x11: {  	[smem:$0x3FB4] =	sst s9;
	s0 =	simm.s32 @!p0 $0x0  }
0x12: {  	s1 =	sld [smem:$0x3F9A];
	s0 =	simm.s32 @p0 $0x1  }
0x13: {  	[smem:$0x3FB5] =	sst s0;
	s0 =	simm.s32 @!p1 $0x0  }
0x14: {  	s2 =	sld [smem:$0x3F99];
	s0 =	simm.s32 @p1 $0x1  }
0x15: {  	[smem:$0x3FB6] =	sst s0;
	s0 =	simm.s32 @!p2 $0x0  }
0x16: {  	s3 =	sld [smem:$0x3FDB];
	s0 =	simm.s32 @p2 $0x1  }
0x17: {  	s4 =	simm.s32 $0x1BF5;
	[smem:$0x3FB8] =	sst s0  }
0x18: {  	s0 =	sld [smem:$0x3F9B];
	_ =	swait.ge [sflag:s4], $0x0  }
0x19: {  	s7 =	sld [smem:$0x3F9C]  }
0x1a: {  	s8 =	sadd.s32 $0xFFFFE003, lr  }
0x1b: {  	s9 =	sadd.s32 $0xFFFFFEF7, lr;
	s5 =	simm.s32 $0xFFFFFFFF;
	p2 =	slt.u32 s8, $0xFFFFF086  }
0x1c: {  	p1 =	slt.u32 s9, $0xF7A;
	s5 =	simm.s32 @!p2 $0x0  }
0x1d: {  	s5 =	simm.s32 @p1 $0x1;
	p0 =	seq.s32 s7, s2  }
0x1e: {  	s7 =	smul.u32 @!p0 $0xF7A, s2;
	p2 =	seq.s32 @!p0 s5, $0x0  }
0x1f: {  	s9 =	smul.u32 $0xF7A, s1;
	s8 =	simm.s32 @!p0 $0x1BF5;
	p2 =	por !p2, p0  }
0x20: {  	[sflag:s8] =	ssyncset.s32 @!p0 $0xFFFFF086;
	s6 =	sadd.s32 @!p0 s3, s7;
	s7 =	simm.s32 @!p0 $0x108  }
0x21: {  	s3 =	sadd.s32 s3, s9;
	s6 =	sadd.s32 @!p0 $0x88, s6;
	s7 =	simm.s32 @p2 $0x1082  }
0x22: {  	[simem:s7], [sflag:s8] =	dma.local @!p0 [hbm:s6], $0xF7A  }
0x23: {  	s9 =	sor.u32 $0xD0000000, s2;
	s6 =	simm.s32 $0x108;
	_ =	swait.ge @!p0 [sflag:s8], $0x0  }
0x24: {  	s3 =	sadd.s32 $0x88, s3;
	s6 =	simm.s32 @!p1 $0x1082;
	[sflag:s4] =	ssyncset.s32 $0xFFFFF086  }
0x25: {  	[simem:s6], [sflag:s4] =	dma.local [hbm:s3], $0xF7A  }
0x26: {  	[smem:$0x3F9C] =	sst s1;
	(tag) =	ssettag s2;
	_ =	strace s9  }
0x27: {  	s1 =	sld [smem:$0x3FAC]  }
0x28: {  	s2 =	sld [smem:$0x3FAD]  }
0x29: {  	s4 =	sld [smem:$0x3FAF]  }
0x2a: {  	p0 =	seq.s32 s5, $0x0;
	s5 =	sld [smem:$0x3FB0]  }
0x2b: {  	s6 =	sld [smem:$0x3FB1]  }
0x2c: {  	s7 =	sld [smem:$0x3FB2]  }
0x2d: {  	s3 =	simm.s32 $0x108;
	s8 =	sld [smem:$0x3FB3]  }
0x2e: {  	s3 =	simm.s32 @!p0 $0x1082;
	s9 =	sld [smem:$0x3FB4]  }
0x2f: {  	lr =	sadd.s32 s0, s3;
	s0 =	sld [smem:$0x3FAB]  }
0x30: {  	s3 =	sld [smem:$0x3FAE]  }
0x31: {  	[smem:$0x3FB7] =	sst s10  }
0x32: {  	s10 =	sld [smem:$0x3FB5];
	_ =	sdelay $0x3  }
0x33: {  	p0 =	seq.s32 s10, $0x1;
	s10 =	sld [smem:$0x3FB7];
	_ =	sdelay $0x3  }
0x34: {  	[smem:$0x3FB7] =	sst s10  }
0x35: {  	s10 =	sld [smem:$0x3FB6];
	_ =	sdelay $0x3  }
0x36: {  	p1 =	seq.s32 s10, $0x1;
	s10 =	sld [smem:$0x3FB7];
	_ =	sdelay $0x3  }
0x37: {  	[smem:$0x3FB7] =	sst s10  }
0x38: {  	s10 =	sld [smem:$0x3FB8]  }
0x39: {  	_ = 	snop;
	(pc) =	sbr.ind lr, $3  }
0x3a: {  	_ = 	snop  }
0x3b: {  	_ = 	snop  }
0x3c: {  	p2 =	seq.s32 s10, $0x1;
	s10 =	sld [smem:$0x3FB7]  }
0x3d: {  	_ =	shalt  }
0x3e: {  	_ =	shalt  }
0x3f: {  	_ =	shalt  }
0x40: {  	_ =	shalt  }
0x41: {  	_ =	shalt  }
0x42: {  	_ =	shalt  }
0x43: {  	_ =	shalt  }
0x44: {  	_ =	shalt  }
0x45: {  	_ =	shalt  }
0x46: {  	_ =	shalt  }
0x47: {  	_ =	shalt  }
0x48: {  	_ =	shalt  }
0x49: {  	_ =	shalt  }
0x4a: {  	_ =	shalt  }
0x4b: {  	_ =	shalt  }
0x4c: {  	_ =	shalt  }
0x4d: {  	_ =	shalt  }
0x4e: {  	_ =	shalt  }
0x4f: {  	_ =	shalt  }
0x50: {  	_ =	shalt  }
0x51: {  	_ =	shalt  }
0x52: {  	_ =	shalt  }
0x53: {  	_ =	shalt  }
0x54: {  	_ =	shalt  }
0x55: {  	_ =	shalt  }
0x56: {  	_ =	shalt  }
0x57: {  	_ =	shalt  }
0x58: {  	_ =	shalt  }
0x59: {  	_ =	shalt  }
0x5a: {  	_ =	shalt  }
0x5b: {  	_ =	shalt  }
0x5c: {  	_ =	shalt  }
0x5d: {  	_ =	shalt  }
0x5e: {  	_ =	shalt  }
0x5f: {  	_ =	shalt  }
0x60: {  	_ =	shalt  }
0x61: {  	_ =	shalt  }
0x62: {  	_ =	shalt  }
0x63: {  	_ =	shalt  }
0x64: {  	_ =	shalt  }
0x65: {  	_ =	shalt  }
0x66: {  	_ =	shalt  }
0x67: {  	_ =	shalt  }
0x68: {  	_ =	shalt  }
0x69: {  	_ =	shalt  }
0x6a: {  	_ =	shalt  }
0x6b: {  	_ =	shalt  }
0x6c: {  	_ =	shalt  }
0x6d: {  	_ =	shalt  }
0x6e: {  	_ =	shalt  }
0x6f: {  	_ =	shalt  }
0x70: {  	_ =	shalt  }
0x71: {  	_ =	shalt  }
0x72: {  	_ =	shalt  }
0x73: {  	_ =	shalt  }
0x74: {  	_ =	shalt  }
0x75: {  	_ =	shalt  }
0x76: {  	_ =	shalt  }
0x77: {  	_ =	shalt  }
0x78: {  	_ =	shalt  }
0x79: {  	_ =	shalt  }
0x7a: {  	_ =	shalt  }
0x7b: {  	_ =	shalt  }
0x7c: {  	_ =	shalt  }
0x7d: {  	_ =	shalt  }
0x7e: {  	_ =	shalt  }
0x7f: {  	_ =	shalt  }
0x80: {  	_ =	shalt  }
0x81: {  	_ =	shalt  }
0x82: {  	_ =	shalt  }
0x83: {  	_ =	shalt  }
0x84: {  	_ =	shalt  }
0x85: {  	_ =	shalt  }
0x86: {  	_ =	shalt  }
0x87: {  	_ =	shalt  }
.Lfunc_end0:
.L_simem_size_0:
called_computation_lowered:
.L_overlay_start_0:
0x88: {  	s2 =	sld [smem:$0x3FD9]  }
0x89: {  	s3 =	sld [smem:$0x3FFE];
	_ =	sdelay $0x1  }
0x8a: {  	s1 =	srdreg.scid  }
0x8b: {  	s0 =	sand.u32 $0x1, s1  }
0x8c: {  	s17 =	sshll.u32 s0, $0xA;
	s2 =	sadd.s32 s3, s2  }
0x8d: {  	s2 =	sadd.s32 s2, s17  }
0x8e: {  	[smem:$0x3FC3] =	sst s2  }
0x8f: {  	_ = 	snop  }
0x90: {  	s2 =	sld [smem:$0x3FD0];
	(tm) =	ssettm $0x1  }
0x91: {  	s18 =	sld [smem:$0x3FFB];
	_ =	sdelay $0x3  }
0x92: {  	_ =	strace s18  }
0x93: {  	s3 =	sld [smem:$0x3FFC];
	_ =	sdelay $0x3  }
0x94: {  	_ =	strace s3  }
0x95: {  	s3 =	sld [smem:$0x3FFD];
	_ =	sdelay $0x3  }
0x96: {  	_ =	strace s3  }
0x97: {  	_ =	strace $0x8FFFFFFF  }
0x98: {  	s19 =	sld [smem:$0x3FDB];
	_ =	sdelay $0x1  }
0x99: {  	s4 =	simm.s32 $_scs_section_size  }
0x9a: {  	s5 =	simm.s32 $_size__tile_overlayer_lowered;
	s6 =	simm.s32 $_tile_overlayer_lowered  }
0x9b: {  	s22 =	simm.s32 $0x1BFF;
	s21 =	sshll.u32 s6, $0x1;
	s3 =	sadd.s32 s4, s19  }
0x9c: {  	s7 =	simm.s32 $0x0;
	s20 =	sshll.u32 s5, $0x1;
	s5 =	sadd.s32 s21, s3  }
0x9d: {  	[timem:s7], [sflag:s22] =	dma.local [hbm:s5], s20  }
0x9e: {  	_ =	swait.ge [sflag:s22], s20  }
0x9f: {  	s4 =	ssub.s32 $0x0, s20;
	[sflag:s22] =	ssyncset.done $0x0  }
0xa0: {  	[sflag:s22] =	ssyncadd.s32 s4;
	_ =	sdelay $0x1  }
0xa1: {  	s23 =	simm.s32 $0x1B8B  }
0xa2: {  	_ =	swait.ge [sflag:s23], $0x1  }
0xa3: {  	[sflag:s23] =	ssyncset.done $0x0  }
0xa4: {  	s25 =	simm.s32 $0x1B8E;
	s24 =	sld [smem:$0x3FFE];
	[sflag:s23] =	ssyncadd.s32 $0xFFFFFFFF  }
0xa5: {  	s26 =	simm.s32 $execute0_lowered;
	[smem:$0x3FD2] =	sst s25  }
0xa6: {  	s5 =	sshll.u32 s26, $0x1;
	_ =	strace $0x80000046;
	[dreg:$0x1] =	wrdreg $0xFFFFFFFF  }
0xa7: {  	s28 =	simm.s32 $_size_execute0_lowered;
	s3 =	sadd.s32 s3, s5;
	[dreg:$0x0] =	wrdreg $0x0  }
0xa8: {  	s5 =	sshll.u32 s28, $0x1;
	[dreg:$0x2] =	wrdreg s3  }
0xa9: {  	[dreg:$0x3] =	wrdreg s5  }
0xaa: {  	[dreg:$0x4] =	wrdreg $0xC0  }
0xab: {  	_ =	task [dreg:s7], $0x5FFFF  }
0xac: {  	[dreg:$0x1] =	wrdreg $0xFFFFFFFF  }
0xad: {  	[dreg:$0x0] =	wrdreg $0x60  }
0xae: {  	[dreg:$0x2] =	wrdreg s24  }
0xaf: {  	[dreg:$0x3] =	wrdreg s2  }
0xb0: {  	[dreg:$0x4] =	wrdreg $0x93000  }
0xb1: {  	[dreg:$0x5] =	wrdreg $0x9  }
0xb2: {  	_ =	task.clear_ibuf [dreg:s7], $0x6FFFF;
	_ =	strace $0x90000046  }
0xb3: {  	s29 =	simm.s32 $0x9;
	_ =	strace $0x80000048  }
0xb4: {  	_ =	swait.ge [sflag:s29], $0x1  }
0xb5: {  	[sflag:s29] =	ssyncadd.s32 $0xFFFFFFFF  }
0xb6: {  	_ =	strace $0x90000048  }
0xb7: {  	_ =	sfence  }
0xb8: {  	s30 =	sld [smem:$0x0];
	_ =	sdelay $0x2  }
0xb9: {  	s31 =	sshll.u32 s1, $0xD;
	s1 =	sshrl.u32 s1, $0x2  }
0xba: {  	s3 =	sand.u32 $0x4000, s31;
	s1 =	sadd.s32 s1, s30  }
0xbb: {  	s0 =	sor.u32 s3, s0;
	s1 =	sshll.u32 s1, $0x11  }
0xbc: {  	s0 =	sor.u32 s1, s0  }
0xbd: {  	s0 =	sadd.s32 $0x8F2B, s0  }
0xbe: {  	[sflag:s0] =	ssyncadd.remote.s32 $0x1  }
0xbf: {  	_ =	sfence.sel $0xFFFF  }
0xc0: {  	[dreg:$0x0] =	wrdreg $0xFFFFFFFF;
	(pc) =	sbr.abs _section_cstart, $3  }
0xc1: {  	[dreg:$0x1] =	wrdreg $0xFFFFFFFF  }
0xc2: {  	_ =	task.clear_ibuf [dreg:s7], $0x2FFFF;
	_ =	strace $0x9FFFFFFF  }
0xc3: {  	(tm) =	ssettm $0x7FFFFFFF  }
tec
execute0_lowered:
.L_overlay_start_1:
0x0: {  	(tag) =	ssettag $0x1  }
0x1: {  	s6 =	rddreg [dreg:$0x0]  }
0x2: {  	s7 =	rddreg [dreg:$0x1]  }
0x3: {  	s0 =	srdreg.scid;
	s2 =	rddreg [dreg:$0x2]  }
0x4: {  	s1 =	stileid.u32;
	s3 =	simm.s32 $0x0;
	s16 =	simm.s32 $0x7100  }
0x5: {  	s17 =	simm.s32 $0x2;
	s18 =	simm.s32 $0x2740;
	s19 =	simm.s32 $0x4E80  }
0x6: {  	s20 =	simm.s32 $0x4EC0;
	s8 =	sand.u32 $0x1, s0;
	s0 =	rddreg [dreg:$0x3]  }
0x7: {  	[smem:$0x7FF] =	sst s3;
	s5 =	sadd.s32 $0x33C00, s6;
	s12 =	smul.u32 $0x14FC0, s1  }
0x8: {  	s13 =	sshll.u32 s1, $0x6;
	s4 =	sshll.u32 s8, $0x4;
	_ =	strace $0x80000047  }
0x9: {  	s11 =	smul.u32 $0x29F80, s8;
	s8 =	ssub.s32 $0x2, s8;
	s4 =	sor.u32 s1, s4  }
0xa: {  	s31 =	sshrl.u32 s8, $0x1;
	s15 =	sadd.s32 s12, s2;
	s22 =	sshrl.u32 s12, $0x3  }
0xb: {  	s12 =	simm.s32 $0x2780;
	s9 =	smul.u32 $0x4F0, s4;
	s11 =	sadd.s32 s11, s6  }
0xc: {  	s4 =	sadd.s32 $0x400, s6;
	s14 =	ssub.s32 s8, s31;
	s21 =	sadd.s32 $0x36600, s11  }
0xd: {  	s11 =	simm.s32 $0x3;
	s10 =	sadd.s32 s9, s6;
	s6 =	sor.u32 $0x1C03, s13  }
0xe: {  	s7 =	sadd.s32 s7, s9;
	s9 =	smax.u32 s14, $0x1;
	s13 =	simm.s32 $0x40  }
0xf: {  	s14 =	simm.s32 $0x4F00;
	s21 =	sadd.s32 s22, s21;
	s22 =	simm.s32 $0x0  }
0x10: {  	s8 =	sadd.s32 $0x29E00, s10;
	s10 =	sshrl.u32 s15, $0x3;
	s15 =	simm.s32 $0x1  }
.LBB2_1:
0x11: {  	[spmem:s10], [sflag:s6] =	dma.local [hbm:s5], $0x29F8  }
0x12: {  	_ =	swait.ge [sflag:s11], $0x29F8  }
0x13: {  	[sflag:s11] =	ssyncset.done $0x0  }
0x14: {  	[sflag:s11] =	ssyncadd.s32 $0xFFFFD608  }
0x15: {  	[tilespmem:s3], [sflag:$0x3] =	stream.linear.gather [hbm4b:s7+s3], $0x2780, $0x38;
	[tilespmem:$0x1E2C0] =	vst v63  }
0x16: {  	_ =	swait.ge [sflag:s11], $0x2780  }
0x17: {  	[sflag:s11] =	ssyncset.done $0x0  }
0x18: {  	[sflag:s11] =	ssyncadd.s32 $0xFFFFD880  }
0x19: {  	[tilespmem:s12], [sflag:$0x3] =	stream.linear.gather [hbm4b:s8+s3], $0x2780, $0x38;
	[tilespmem:$0x1E2C0] =	vst v63  }
0x1a: {  	_ =	swait.ge [sflag:s11], $0x2780  }
0x1b: {  	[sflag:s11] =	ssyncset.done $0x0  }
0x1c: {  	[sflag:s11] =	ssyncadd.s32 $0xFFFFD880  }
0x1d: {  	[tilespmem:s14], [sflag:$0x1] =	stream.indirect.gather [hbm4b:s4+s13], $0x88, s3, s13, $0xb8;
	[tilespmem:$0x1E2C0] =	vst v63  }
0x1e: {  	[bflag:$0x0] =	sbarrier.arrive $0xFFFF  }
0x1f: {  	_ =	swait.ge [sflag:s15], $0x2200  }
0x20: {  	[sflag:s15] =	ssyncset.done $0x0  }
0x21: {  	s23 =	simm.s32 $0x40;
	[sflag:s15] =	ssyncadd.s32 $0xFFFFDE00  }
0x22: {  	[tilespmem:s16], [sflag:$0x2] =	stream.indirect.gather [hbm4b:s4+s13], $0x88, s23, s13, $0xb8;
	[tilespmem:$0x1E2C0] =	vst v63  }
0x23: {  	s29 =	simm.s32 $0x2780  }
0x24: {  	[spmem:s2] =	stream.indirect.scatter.add.f32 [tilespmem:s14], [sflag:$0x3], $0x88, s29, s13, $0xb8;
	[tilespmem:$0x1E2C0] =	vst v63  }
0x25: {  	_ =	swait.ge [sflag:s11], $0x2200  }
0x26: {  	[sflag:s11] =	ssyncset.done $0x0  }
0x27: {  	[sflag:s11] =	ssyncadd.s32 $0xFFFFDE00  }
0x28: {  	_ =	swait.ge [sflag:s17], $0x2200  }
0x29: {  	[sflag:s17] =	ssyncset.done $0x0  }
0x2a: {  	s30 =	simm.s32 $0x80;
	[sflag:s17] =	ssyncadd.s32 $0xFFFFDE00  }
0x2b: {  	[tilespmem:s14], [sflag:$0x1] =	stream.indirect.gather [hbm4b:s4+s13], $0x88, s30, s13, $0xb8;
	[tilespmem:$0x1E2C0] =	vst v63  }
0x2c: {  	s31 =	simm.s32 $0x27C0  }
0x2d: {  	[spmem:s2] =	stream.indirect.scatter.add.f32 [tilespmem:s16], [sflag:$0x3], $0x88, s31, s13, $0xb8;
	[tilespmem:$0x1E2C0] =	vst v63  }
0x2e: {  	_ =	swait.ge [sflag:s11], $0x2200  }
0x2f: {  	s23 =	simm.s32 $0x200;
	[sflag:s11] =	ssyncset.done $0x0  }
.LBB2_2:
0x30: {  	p0 =	sne.s32 s23, $0x9A00  }
0x31: {  	[sflag:s11] =	ssyncadd.s32 $0xFFFFDE00;
	s24 =	smov.u32 s23;
	s23 =	sadd.s32 $0x200, s23  }
0x32: {  	_ = 	snop  }
0x33: {  	_ =	swait.ge [sflag:s15], $0x2200  }
0x34: {  	s24 =	sshra.s32 s24, $0x2;
	[sflag:s15] =	ssyncset.done $0x0  }
0x35: {  	s25 =	sadd.s32 $0x40, s24;
	[sflag:s15] =	ssyncadd.s32 $0xFFFFDE00  }
0x36: {  	[tilespmem:s16], [sflag:$0x2] =	stream.indirect.gather [hbm4b:s4+s13], $0x88, s25, s13, $0xb8;
	[tilespmem:$0x1E2C0] =	vst v63  }
0x37: {  	s25 =	sadd.s32 $0x2780, s24  }
0x38: {  	[spmem:s2] =	stream.indirect.scatter.add.f32 [tilespmem:s14], [sflag:$0x3], $0x88, s25, s13, $0xb8;
	[tilespmem:$0x1E2C0] =	vst v63  }
0x39: {  	_ =	swait.ge [sflag:s11], $0x2200  }
0x3a: {  	[sflag:s11] =	ssyncset.done $0x0  }
0x3b: {  	[sflag:s11] =	ssyncadd.s32 $0xFFFFDE00  }
0x3c: {  	_ =	swait.ge [sflag:s17], $0x2200  }
0x3d: {  	[sflag:s17] =	ssyncset.done $0x0  }
0x3e: {  	s25 =	sadd.s32 $0x80, s24;
	[sflag:s17] =	ssyncadd.s32 $0xFFFFDE00  }
0x3f: {  	[tilespmem:s14], [sflag:$0x1] =	stream.indirect.gather [hbm4b:s4+s13], $0x88, s25, s13, $0xb8;
	[tilespmem:$0x1E2C0] =	vst v63  }
.Ltmp0:
0x40: {  	_ = 	snop;
	(pc) =	sbr.rel @p0 .LBB2_2-.Ltmp0, $4  }
0x41: {  	s24 =	sadd.s32 $0x27C0, s24  }
0x42: {  	[spmem:s2] =	stream.indirect.scatter.add.f32 [tilespmem:s16], [sflag:$0x3], $0x88, s24, s13, $0xb8;
	[tilespmem:$0x1E2C0] =	vst v63  }
0x43: {  	_ =	swait.ge [sflag:s11], $0x2200  }
0x44: {  	[sflag:s11] =	ssyncset.done $0x0  }
0x45: {  	[sflag:s11] =	ssyncadd.s32 $0xFFFFDE00  }
0x46: {  	_ =	swait.ge [sflag:s15], $0x2200  }
0x47: {  	[sflag:s15] =	ssyncset.done $0x0  }
0x48: {  	[sflag:s15] =	ssyncadd.s32 $0xFFFFDE00  }
0x49: {  	[tilespmem:s16], [sflag:$0x2] =	stream.indirect.gather [hbm4b:s4+s13], $0x88, s18, s13, $0xb8;
	[tilespmem:$0x1E2C0] =	vst v63  }
0x4a: {  	_ = 	snop  }
0x4b: {  	[spmem:s2] =	stream.indirect.scatter.add.f32 [tilespmem:s14], [sflag:$0x3], $0x88, s19, s13, $0xb8;
	[tilespmem:$0x1E2C0] =	vst v63  }
0x4c: {  	_ =	swait.ge [sflag:s11], $0x2200  }
0x4d: {  	[sflag:s11] =	ssyncset.done $0x0  }
0x4e: {  	[sflag:s11] =	ssyncadd.s32 $0xFFFFDE00  }
0x4f: {  	_ =	swait.ge [sflag:s17], $0x2200  }
0x50: {  	[sflag:s17] =	ssyncset.done $0x0  }
0x51: {  	[sflag:s17] =	ssyncadd.s32 $0xFFFFDE00  }
0x52: {  	[spmem:s2] =	stream.indirect.scatter.add.f32 [tilespmem:s16], [sflag:$0x3], $0x88, s20, s13, $0xb8;
	[tilespmem:$0x1E2C0] =	vst v63  }
0x53: {  	_ =	swait.ge [sflag:s11], $0x2200  }
0x54: {  	s22 =	sadd.s32 $0x1, s22;
	[sflag:s11] =	ssyncset.done $0x0  }
0x55: {  	p0 =	sne.s32 s22, s9;
	[sflag:s11] =	ssyncadd.s32 $0xFFFFDE00  }
.Ltmp1:
0x56: {  	[bflag:$0x0] =	sbarrier.arrive $0xFFFF;
	(pc) =	sbr.rel @p0 .LBB2_1-.Ltmp1, $4  }
0x57: {  	[hbm:s21], [sflag:s6] =	dma.local [spmem:s10], $0x29F8  }
0x58: {  	_ =	swait.ge [sflag:s11], $0x29F8  }
0x59: {  	[sflag:s11] =	ssyncset.done $0x0  }
0x5a: {  	[sflag:s11] =	ssyncadd.s32 $0xFFFFD608  }
0x5b: {  	_ =	sfence.sel $0x180000  }
0x5c: {  	[bflag:$0x0] =	sbarrier.arrive $0xFFFF  }
0x5d: {  	p0 =	sne.s32 s1, $0x0;
	_ =	strace $0x90000047  }
0x5e: {  	s0 =	sadd.s32 @!p0 $0x100000, s0;
	[bflag:$0x2] =	sbarrier.arrive $0xFFFF  }
0x5f: {  	[sflag:s0] =	ssyncadd.tile.s32 @!p0 $0x1;
	_ =	shalt  }
.Lfunc_end2:
_tile_overlayer_lowered:
.L_overlay_start_2:
0x60: {  	(tag) =	ssettag $0x2  }
0x61: {  	s0 =	rddreg [dreg:$0x0];
	s2 =	stileid.u32  }
0x62: {  	s1 =	rddreg [dreg:$0x1];
	p0 =	sne.s32 s2, $0x0  }
0x63: {  	s3 =	rddreg [dreg:$0x2];
	[bflag:$0x3] =	sbarrier.arrive $0xFFFF;
	s2 =	simm.s32 @!p0 $0x1C03  }
0x64: {  	[timem:s3], [sflag:s2] =	dma.local @!p0 [hbm:s0], s1  }
0x65: {  	s0 =	simm.s32 @!p0 $0x3  }
0x66: {  	_ =	swait.ge @!p0 [sflag:s0], s1  }
0x67: {  	s1 =	ssub.s32 @!p0 $0x0, s1;
	[sflag:s0] =	ssyncset.done @!p0 $0x0  }
0x68: {  	[sflag:s0] =	ssyncadd.s32 @!p0 s1  }
0x69: {  	[bflag:$0x3] =	sbarrier.arrive $0xFFFF  }
0x6a: {  	_ =	shalt  }

</sc_bundles>
